<compile_context>
chip_gen: v7x
topology: tpu7x:2x2x1
jax: 0.10.2.dev20260603
libtpu: 0.0.44.dev20260713+nightly
codegen_flags: <defaults>
</compile_context>

<pallas_src>
import functools

import jax
import jax.numpy as jnp
from jax import lax
from jax.experimental import pallas as pl
from jax.experimental.pallas import tpu as pltpu
from jax.experimental.pallas import tpu_sc as plsc

_B, _L, _D, _CLS = 8, 2048, 64, 20

_NC, _NS = 2, 16
_NW = _NC * _NS
_RPW = (_B * _L) // _NW
_SEG = _NW // _B
_CHUNK = 128
_NCH = _RPW // _CHUNK


def _detile_body(w_ref, out_ref):
    out_ref[...] = jnp.reshape(w_ref[...], (_B * _L // _CHUNK, _CHUNK))


def _detile_idx(words2ids):
    return pl.pallas_call(
        _detile_body,
        in_specs=[pl.BlockSpec((_B, _L), lambda: (0, 0))],
        out_specs=pl.BlockSpec((_B * _L // _CHUNK, _CHUNK), lambda: (0, 0)),
        out_shape=jax.ShapeDtypeStruct((_B * _L // _CHUNK, _CHUNK),
                                       jnp.int32),
    )(words2ids)


def _sc_gather(table, idx):
    mesh = plsc.VectorSubcoreMesh(core_axis_name="c", subcore_axis_name="s")

    @functools.partial(
        pl.kernel,
        mesh=mesh,
        out_type=jax.ShapeDtypeStruct((_B * _L // 2, 2 * _D), jnp.float32),
        scratch_types=[
            pltpu.VMEM((_NCH, _CHUNK), jnp.int32),
            pltpu.VMEM((_RPW, _D), jnp.float32),
            pltpu.SemaphoreType.DMA,
        ],
        compiler_params=pltpu.CompilerParams(use_tc_tiling_on_sc=False),
    )
    def k(table_hbm, idx_hbm, out_hbm, idx_v, rows_v, sem):
        wid = lax.axis_index("s") * _NC + lax.axis_index("c")
        b = wid // _SEG
        seg = wid % _SEG
        pltpu.sync_copy(idx_hbm.at[pl.ds(wid * _NCH, _NCH)], idx_v)
        copies = [
            pltpu.async_copy(
                table_hbm.at[idx_v.at[j]],
                rows_v.at[pl.ds(j * _CHUNK, _CHUNK)],
                sem,
            )
            for j in range(_NCH)
        ]
        for cp in copies:
            cp.wait()
        row0 = b * (_L // 2) + (seg % 2) * _RPW
        col0 = (seg // 2) * _D
        pltpu.sync_copy(rows_v,
                        out_hbm.at[pl.ds(row0, _RPW), pl.ds(col0, _D)])

    return k(table, idx)


def _tc_body(gath_ref, imask_ref, memb_ref, a_ref, w1_ref, b1_ref,
             w2_ref, b2_ref, wp_ref, bp_ref, out_ref):
    b = pl.program_id(0)
    x2 = gath_ref[0]
    x = jnp.concatenate([x2[:, :_D], x2[:, _D:]], axis=0)
    msk = imask_ref[0, 0, :]
    sig = jax.nn.sigmoid(memb_ref[...])
    f = jnp.where(msk[:, None] == 1, sig[1:2, :], sig[0:1, :])
    s1 = jnp.dot(x * f, w1_ref[...], preferred_element_type=jnp.float32)

    a = a_ref[0]
    h = jnp.dot(a, s1, preferred_element_type=jnp.float32) + b1_ref[...]
    h1 = 0.5 * h * (1.0 + lax.erf(h * (2.0 ** -0.5)))
    c = jnp.sum(a, axis=0, keepdims=True)

    pooled = jnp.dot(c, h1, preferred_element_type=jnp.float32)
    pooled = jnp.dot(pooled, w2_ref[...],
                     preferred_element_type=jnp.float32) + _L * b2_ref[...]
    logits = jnp.dot(pooled, wp_ref[...],
                     preferred_element_type=jnp.float32) + bp_ref[...]
    m = jnp.max(logits, axis=1, keepdims=True)
    lse = jnp.log(jnp.sum(jnp.exp(logits - m), axis=1, keepdims=True)) + m
    out_ref[pl.ds(b, 1), :] = logits - lse


def _tc_forward(gathered3, imask3, mask_embedding, paris_mat,
                W1, b1, W2, b2, Wp, bp):
    return pl.pallas_call(
        _tc_body,
        grid=(_B,),
        in_specs=[
            pl.BlockSpec((1, _L // 2, 2 * _D), lambda b: (b, 0, 0)),
            pl.BlockSpec((1, 1, _L), lambda b: (b, 0, 0)),
            pl.BlockSpec((2, _D), lambda b: (0, 0)),
            pl.BlockSpec((1, _L, _L), lambda b: (b, 0, 0)),
            pl.BlockSpec((_D, _D), lambda b: (0, 0)),
            pl.BlockSpec((1, _D), lambda b: (0, 0)),
            pl.BlockSpec((_D, _D), lambda b: (0, 0)),
            pl.BlockSpec((1, _D), lambda b: (0, 0)),
            pl.BlockSpec((_D, _CLS), lambda b: (0, 0)),
            pl.BlockSpec((1, _CLS), lambda b: (0, 0)),
        ],
        out_specs=pl.BlockSpec((_B, _CLS), lambda b: (0, 0)),
        out_shape=jax.ShapeDtypeStruct((_B, _CLS), jnp.float32),
        compiler_params=pltpu.CompilerParams(
            dimension_semantics=("arbitrary",),
            vmem_limit_bytes=100 * 1024 * 1024,
        ),
    )(gathered3, imask3, mask_embedding, paris_mat,
      W1, b1, W2, b2, Wp, bp)


def kernel(words2ids, i_mask, paris_mat, w_embedding, mask_embedding,
           W1, b1, W2, b2, Wp, bp):
    w2i = words2ids.astype(jnp.int32)
    idx = _detile_idx(w2i)
    gathered = _sc_gather(w_embedding, idx)
    gathered3 = gathered.reshape(_B, _L // 2, 2 * _D)
    imask3 = i_mask.astype(jnp.int32).reshape(_B, 1, _L)
    return _tc_forward(gathered3, imask3, mask_embedding, paris_mat,
                       W1, b1.reshape(1, _D), W2, b2.reshape(1, _D),
                       Wp, bp.reshape(1, _CLS))

# --- scband reference (transcript-rebuilt; emitter-appended) ---
"""Pipeline reference for scband-text-gcn-49211735278211 (READ-ONLY COPY).

The authoritative reference and input builder live on the scoring server;
editing this copy changes nothing except your own understanding.
"""

import jax, jax.numpy as jnp
import numpy as np

B, L = 8, 2048
NUM_WORDS, D, NHID, OHID, CLS = 100000, 64, 64, 64, 20

def setup_inputs(seed: int = 0) -> dict:
    key = jax.random.key(seed)
    ks = jax.random.split(key, 12)
    return {
        "words2ids": jax.random.randint(ks[0], (B, L), 0, NUM_WORDS, dtype=jnp.int64) if jax.config.read('jax_enable_x64') else jax.random.randint(ks[0], (B, L), 0, NUM_WORDS, dtype=jnp.int32),
        "i_mask": jax.random.randint(ks[1], (B, L), 0, 2, dtype=jnp.int32),
        "paris_mat": jax.random.uniform(ks[2], (B, L, L), dtype=jnp.float32),
        "w_embedding": jax.random.normal(ks[3], (NUM_WORDS, D), dtype=jnp.float32) * 0.02,
        "mask_embedding": jax.random.normal(ks[4], (2, D), dtype=jnp.float32) * 0.02,
        "W1": jax.random.normal(ks[5], (D, NHID), dtype=jnp.float32) * (1.0 / np.sqrt(D)),
        "b1": jnp.zeros((NHID,), dtype=jnp.float32),
        "W2": jax.random.normal(ks[6], (NHID, OHID), dtype=jnp.float32) * (1.0 / np.sqrt(NHID)),
        "b2": jnp.zeros((OHID,), dtype=jnp.float32),
        "Wp": jax.random.normal(ks[7], (OHID, CLS), dtype=jnp.float32) * (1.0 / np.sqrt(OHID)),
        "bp": jnp.zeros((CLS,), dtype=jnp.float32),
    }

def reference(words2ids, i_mask, paris_mat, w_embedding, mask_embedding, W1, b1, W2, b2, Wp, bp):
    # embedding lookups (gather)
    w_emb = jnp.take(w_embedding, words2ids, axis=0)        # [B, L, D]
    w_mask = jnp.take(mask_embedding, i_mask, axis=0)       # [B, L, D]
    w_emb = w_emb * jax.nn.sigmoid(w_mask)
    # gc1: support = x @ W; out = adj @ support + b
    h = jnp.einsum('bnm,bmd->bnd', paris_mat, w_emb @ W1) + b1
    h = jax.nn.gelu(h, approximate=False)
    # gc2
    h = jnp.einsum('bnm,bmd->bnd', paris_mat, h @ W2) + b2
    # single=True prediction head
    logits = h.sum(axis=1) @ Wp + bp                         # [B, CLS]
    return jax.nn.log_softmax(logits, axis=1)

if __name__ == "__main__":
    import jax
    _d = setup_inputs()
    print(jax.jit(kernel)(*tuple(_d.values())))

</pallas_src>

<mosaic_0001>
#map = affine_map<(d0, d1) -> (0, 0)>
module attributes {stable_mosaic.version = 14 : i64} {
  func.func @k(%arg0: i32, %arg1: i32, %arg2: memref<100000x64xf32, #tpu.memory_space<hbm>>, %arg3: memref<128x128xi32, #tpu.memory_space<hbm>>, %arg4: memref<8192x128xf32, #tpu.memory_space<hbm>>, %arg5: memref<4x128xi32, #tpu.memory_space<vmem>>, %arg6: memref<512x64xf32, #tpu.memory_space<vmem>>, %arg7: memref<!tpu.dma_semaphore, #tpu.memory_space<semaphore_mem>>) attributes {dimension_semantics = [#tpu.dimension_semantics<core_parallel>, #tpu.dimension_semantics<subcore_parallel>], iteration_bounds = array<i64: 2, 16>, scalar_prefetch = 0 : i64, scratch_operands = 3 : i64, tpu.core_type = #tpu.core_type<sc_vector_subcore>, window_params = [{transform_indices = #map}, {transform_indices = #map}, {transform_indices = #map}]} {
    %mul3A = arith.constant 2 : i32
    %mul3A_0 = arith.muli %arg1, %mul3A : i32
    %add3A = arith.addi %mul3A_0, %arg0 : i32
    %jit3A = arith.constant 4 : i32
    %div3A = arith.divsi %add3A, %jit3A : i32
    %sign3A = arith.constant 0 : i32
    %sign3A_1 = arith.cmpi sgt, %add3A, %sign3A : i32
    %sign3A_2 = arith.extui %sign3A_1 : i1 to i32
    %sign3A_3 = arith.constant 0 : i32
    %sign3A_4 = arith.cmpi slt, %add3A, %sign3A_3 : i32
    %sign3A_5 = arith.extui %sign3A_4 : i1 to i32
    %sign3A_6 = arith.subi %sign3A_2, %sign3A_5 : i32
    %sign3A_7 = arith.constant 0 : i32
    %sign3A_8 = arith.cmpi sgt, %jit3A, %sign3A_7 : i32
    %sign3A_9 = arith.extui %sign3A_8 : i1 to i32
    %sign3A_10 = arith.constant 0 : i32
    %sign3A_11 = arith.cmpi slt, %jit3A, %sign3A_10 : i32
    %sign3A_12 = arith.extui %sign3A_11 : i1 to i32
    %sign3A_13 = arith.subi %sign3A_9, %sign3A_12 : i32
    %ne3A = arith.cmpi ne, %sign3A_6, %sign3A_13 : i32
    %rem3A = arith.remsi %add3A, %jit3A : i32
    %ne3A_14 = arith.constant 0 : i32
    %ne3A_15 = arith.cmpi ne, %rem3A, %ne3A_14 : i32
    %and3A = arith.andi %ne3A, %ne3A_15 : i1
    %sub3A = arith.constant 1 : i32
    %sub3A_16 = arith.subi %div3A, %sub3A : i32
    %select_n3A = arith.select %and3A, %sub3A_16, %div3A : i32
    %jit3A_17 = arith.constant 4 : i32
    %eq3A = arith.constant 0 : i32
    %eq3A_18 = arith.cmpi eq, %jit3A_17, %eq3A : i32
    %jit3A_19 = arith.constant 1 : i32
    %select_n3A_20 = arith.select %eq3A_18, %jit3A_19, %jit3A_17 : i32
    %rem3A_21 = arith.remsi %add3A, %select_n3A_20 : i32
    %ne3A_22 = arith.constant 0 : i32
    %ne3A_23 = arith.cmpi ne, %rem3A_21, %ne3A_22 : i32
    %lt3A = arith.constant 0 : i32
    %lt3A_24 = arith.cmpi slt, %rem3A_21, %lt3A : i32
    %lt3A_25 = arith.constant 0 : i32
    %lt3A_26 = arith.cmpi slt, %select_n3A_20, %lt3A_25 : i32
    %ne3A_27 = arith.xori %lt3A_24, %lt3A_26 : i1
    %and3A_28 = arith.andi %ne3A_27, %ne3A_23 : i1
    %add3A_29 = arith.addi %rem3A_21, %select_n3A_20 : i32
    %select_n3A_30 = arith.select %and3A_28, %add3A_29, %rem3A_21 : i32
    %mul3A_31 = arith.constant 4 : i32
    %mul3A_32 = arith.muli %add3A, %mul3A_31 : i32
    "tpu.region"() ({
      %run_scoped3A = tpu.sem_alloc : memref<!tpu.dma_semaphore, #tpu.memory_space<semaphore_mem>>
      %dma_start3A_158 = arith.constant 0 : i32
      %dma_start3A_159 = tpu.memref_slice %arg3[%mul3A_32, %dma_start3A_158] : memref<128x128xi32, #tpu.memory_space<hbm>> -> memref<4x128xi32, #tpu.memory_space<hbm>>
      %dma_start3A_160 = arith.constant 0 : i32
      %dma_start3A_161 = tpu.memref_slice %arg3[%mul3A_32, %dma_start3A_160] : memref<128x128xi32, #tpu.memory_space<hbm>> -> memref<4x128xi32, #tpu.memory_space<hbm>>
      tpu.enqueue_dma source(%dma_start3A_161 : memref<4x128xi32, #tpu.memory_space<hbm>>) target(%arg5 : memref<4x128xi32, #tpu.memory_space<vmem>>) target_semaphore(%run_scoped3A : memref<!tpu.dma_semaphore, #tpu.memory_space<semaphore_mem>>)
      %dma_wait3A_162 = arith.constant 0 : i32
      %dma_wait3A_163 = tpu.memref_slice %arg3[%mul3A_32, %dma_wait3A_162] : memref<128x128xi32, #tpu.memory_space<hbm>> -> memref<4x128xi32, #tpu.memory_space<hbm>>
      %dma_wait3A_164 = arith.constant 0 : i32
      %dma_wait3A_165 = tpu.memref_slice %arg3[%mul3A_32, %dma_wait3A_164] : memref<128x128xi32, #tpu.memory_space<hbm>> -> memref<4x128xi32, #tpu.memory_space<hbm>>
      tpu.wait_dma2 semaphore(%run_scoped3A : memref<!tpu.dma_semaphore, #tpu.memory_space<semaphore_mem>>) src(%dma_wait3A_165 : memref<4x128xi32, #tpu.memory_space<hbm>>) dst(%arg5 : memref<4x128xi32, #tpu.memory_space<vmem>>)
      tpu.yield
    }) : () -> ()
    %dma_start3A = arith.constant 0 : i32
    %dma_start3A_33 = arith.constant 0 : i32
    %dma_start3A_34 = arith.constant 0 : i32
    %dma_start3A_35 = tpu.memref_slice %arg6[%dma_start3A_33, %dma_start3A_34] : memref<512x64xf32, #tpu.memory_space<vmem>> -> memref<128x64xf32, #tpu.memory_space<vmem>>
    %dma_start3A_36 = arith.constant 0 : i32
    %dma_start3A_37 = tpu.memref_slice %arg5[%dma_start3A, %dma_start3A_36] : memref<4x128xi32, #tpu.memory_space<vmem>> -> memref<1x128xi32, #tpu.memory_space<vmem>>
    %dma_start3A_38 = tpu.memref_squeeze %dma_start3A_37 : memref<1x128xi32, #tpu.memory_space<vmem>> -> memref<128xi32, #tpu.memory_space<vmem>>
    %dma_start3A_39 = arith.constant 0 : i32
    %dma_start3A_40 = arith.constant 0 : i32
    %dma_start3A_41 = tpu.memref_slice %arg2[%dma_start3A_39, %dma_start3A_40] : memref<100000x64xf32, #tpu.memory_space<hbm>> -> memref<100000x64xf32, #tpu.memory_space<hbm>>
    tpu.enqueue_indirect_dma source(%dma_start3A_41 : memref<100000x64xf32, #tpu.memory_space<hbm>>) target(%dma_start3A_35 : memref<128x64xf32, #tpu.memory_space<vmem>>) offsets(%dma_start3A_38 : memref<128xi32, #tpu.memory_space<vmem>>) semaphore(%arg7 : memref<!tpu.dma_semaphore, #tpu.memory_space<semaphore_mem>>)
    %dma_start3A_42 = arith.constant 1 : i32
    %dma_start3A_43 = arith.constant 128 : i32
    %dma_start3A_44 = arith.constant 0 : i32
    %dma_start3A_45 = tpu.memref_slice %arg6[%dma_start3A_43, %dma_start3A_44] : memref<512x64xf32, #tpu.memory_space<vmem>> -> memref<128x64xf32, #tpu.memory_space<vmem>>
    %dma_start3A_46 = arith.constant 0 : i32
    %dma_start3A_47 = tpu.memref_slice %arg5[%dma_start3A_42, %dma_start3A_46] : memref<4x128xi32, #tpu.memory_space<vmem>> -> memref<1x128xi32, #tpu.memory_space<vmem>>
    %dma_start3A_48 = tpu.memref_squeeze %dma_start3A_47 : memref<1x128xi32, #tpu.memory_space<vmem>> -> memref<128xi32, #tpu.memory_space<vmem>>
    %dma_start3A_49 = arith.constant 0 : i32
    %dma_start3A_50 = arith.constant 0 : i32
    %dma_start3A_51 = tpu.memref_slice %arg2[%dma_start3A_49, %dma_start3A_50] : memref<100000x64xf32, #tpu.memory_space<hbm>> -> memref<100000x64xf32, #tpu.memory_space<hbm>>
    tpu.enqueue_indirect_dma source(%dma_start3A_51 : memref<100000x64xf32, #tpu.memory_space<hbm>>) target(%dma_start3A_45 : memref<128x64xf32, #tpu.memory_space<vmem>>) offsets(%dma_start3A_48 : memref<128xi32, #tpu.memory_space<vmem>>) semaphore(%arg7 : memref<!tpu.dma_semaphore, #tpu.memory_space<semaphore_mem>>)
    %dma_start3A_52 = arith.constant 2 : i32
    %dma_start3A_53 = arith.constant 256 : i32
    %dma_start3A_54 = arith.constant 0 : i32
    %dma_start3A_55 = tpu.memref_slice %arg6[%dma_start3A_53, %dma_start3A_54] : memref<512x64xf32, #tpu.memory_space<vmem>> -> memref<128x64xf32, #tpu.memory_space<vmem>>
    %dma_start3A_56 = arith.constant 0 : i32
    %dma_start3A_57 = tpu.memref_slice %arg5[%dma_start3A_52, %dma_start3A_56] : memref<4x128xi32, #tpu.memory_space<vmem>> -> memref<1x128xi32, #tpu.memory_space<vmem>>
    %dma_start3A_58 = tpu.memref_squeeze %dma_start3A_57 : memref<1x128xi32, #tpu.memory_space<vmem>> -> memref<128xi32, #tpu.memory_space<vmem>>
    %dma_start3A_59 = arith.constant 0 : i32
    %dma_start3A_60 = arith.constant 0 : i32
    %dma_start3A_61 = tpu.memref_slice %arg2[%dma_start3A_59, %dma_start3A_60] : memref<100000x64xf32, #tpu.memory_space<hbm>> -> memref<100000x64xf32, #tpu.memory_space<hbm>>
    tpu.enqueue_indirect_dma source(%dma_start3A_61 : memref<100000x64xf32, #tpu.memory_space<hbm>>) target(%dma_start3A_55 : memref<128x64xf32, #tpu.memory_space<vmem>>) offsets(%dma_start3A_58 : memref<128xi32, #tpu.memory_space<vmem>>) semaphore(%arg7 : memref<!tpu.dma_semaphore, #tpu.memory_space<semaphore_mem>>)
    %dma_start3A_62 = arith.constant 3 : i32
    %dma_start3A_63 = arith.constant 384 : i32
    %dma_start3A_64 = arith.constant 0 : i32
    %dma_start3A_65 = tpu.memref_slice %arg6[%dma_start3A_63, %dma_start3A_64] : memref<512x64xf32, #tpu.memory_space<vmem>> -> memref<128x64xf32, #tpu.memory_space<vmem>>
    %dma_start3A_66 = arith.constant 0 : i32
    %dma_start3A_67 = tpu.memref_slice %arg5[%dma_start3A_62, %dma_start3A_66] : memref<4x128xi32, #tpu.memory_space<vmem>> -> memref<1x128xi32, #tpu.memory_space<vmem>>
    %dma_start3A_68 = tpu.memref_squeeze %dma_start3A_67 : memref<1x128xi32, #tpu.memory_space<vmem>> -> memref<128xi32, #tpu.memory_space<vmem>>
    %dma_start3A_69 = arith.constant 0 : i32
    %dma_start3A_70 = arith.constant 0 : i32
    %dma_start3A_71 = tpu.memref_slice %arg2[%dma_start3A_69, %dma_start3A_70] : memref<100000x64xf32, #tpu.memory_space<hbm>> -> memref<100000x64xf32, #tpu.memory_space<hbm>>
    tpu.enqueue_indirect_dma source(%dma_start3A_71 : memref<100000x64xf32, #tpu.memory_space<hbm>>) target(%dma_start3A_65 : memref<128x64xf32, #tpu.memory_space<vmem>>) offsets(%dma_start3A_68 : memref<128xi32, #tpu.memory_space<vmem>>) semaphore(%arg7 : memref<!tpu.dma_semaphore, #tpu.memory_space<semaphore_mem>>)
    %dma_wait3A = arith.constant 0 : i32
    %dma_wait3A_72 = arith.constant 0 : i32
    %dma_wait3A_73 = arith.constant 0 : i32
    %dma_wait3A_74 = tpu.memref_slice %arg6[%dma_wait3A_72, %dma_wait3A_73] : memref<512x64xf32, #tpu.memory_space<vmem>> -> memref<128x64xf32, #tpu.memory_space<vmem>>
    %dma_wait3A_75 = arith.constant 0 : i32
    %dma_wait3A_76 = tpu.memref_slice %arg5[%dma_wait3A, %dma_wait3A_75] : memref<4x128xi32, #tpu.memory_space<vmem>> -> memref<1x128xi32, #tpu.memory_space<vmem>>
    %dma_wait3A_77 = tpu.memref_squeeze %dma_wait3A_76 : memref<1x128xi32, #tpu.memory_space<vmem>> -> memref<128xi32, #tpu.memory_space<vmem>>
    %dma_wait3A_78 = arith.constant 0 : i32
    %dma_wait3A_79 = arith.constant 0 : i32
    %dma_wait3A_80 = tpu.memref_slice %arg2[%dma_wait3A_78, %dma_wait3A_79] : memref<100000x64xf32, #tpu.memory_space<hbm>> -> memref<100000x64xf32, #tpu.memory_space<hbm>>
    tpu.wait_indirect_dma semaphore(%arg7 : memref<!tpu.dma_semaphore, #tpu.memory_space<semaphore_mem>>) src(%dma_wait3A_80 : memref<100000x64xf32, #tpu.memory_space<hbm>>) dst(%dma_wait3A_74 : memref<128x64xf32, #tpu.memory_space<vmem>>)
    %dma_wait3A_81 = arith.constant 1 : i32
    %dma_wait3A_82 = arith.constant 128 : i32
    %dma_wait3A_83 = arith.constant 0 : i32
    %dma_wait3A_84 = tpu.memref_slice %arg6[%dma_wait3A_82, %dma_wait3A_83] : memref<512x64xf32, #tpu.memory_space<vmem>> -> memref<128x64xf32, #tpu.memory_space<vmem>>
    %dma_wait3A_85 = arith.constant 0 : i32
    %dma_wait3A_86 = tpu.memref_slice %arg5[%dma_wait3A_81, %dma_wait3A_85] : memref<4x128xi32, #tpu.memory_space<vmem>> -> memref<1x128xi32, #tpu.memory_space<vmem>>
    %dma_wait3A_87 = tpu.memref_squeeze %dma_wait3A_86 : memref<1x128xi32, #tpu.memory_space<vmem>> -> memref<128xi32, #tpu.memory_space<vmem>>
    %dma_wait3A_88 = arith.constant 0 : i32
    %dma_wait3A_89 = arith.constant 0 : i32
    %dma_wait3A_90 = tpu.memref_slice %arg2[%dma_wait3A_88, %dma_wait3A_89] : memref<100000x64xf32, #tpu.memory_space<hbm>> -> memref<100000x64xf32, #tpu.memory_space<hbm>>
    tpu.wait_indirect_dma semaphore(%arg7 : memref<!tpu.dma_semaphore, #tpu.memory_space<semaphore_mem>>) src(%dma_wait3A_90 : memref<100000x64xf32, #tpu.memory_space<hbm>>) dst(%dma_wait3A_84 : memref<128x64xf32, #tpu.memory_space<vmem>>)
    %dma_wait3A_91 = arith.constant 2 : i32
    %dma_wait3A_92 = arith.constant 256 : i32
    %dma_wait3A_93 = arith.constant 0 : i32
    %dma_wait3A_94 = tpu.memref_slice %arg6[%dma_wait3A_92, %dma_wait3A_93] : memref<512x64xf32, #tpu.memory_space<vmem>> -> memref<128x64xf32, #tpu.memory_space<vmem>>
    %dma_wait3A_95 = arith.constant 0 : i32
    %dma_wait3A_96 = tpu.memref_slice %arg5[%dma_wait3A_91, %dma_wait3A_95] : memref<4x128xi32, #tpu.memory_space<vmem>> -> memref<1x128xi32, #tpu.memory_space<vmem>>
    %dma_wait3A_97 = tpu.memref_squeeze %dma_wait3A_96 : memref<1x128xi32, #tpu.memory_space<vmem>> -> memref<128xi32, #tpu.memory_space<vmem>>
    %dma_wait3A_98 = arith.constant 0 : i32
    %dma_wait3A_99 = arith.constant 0 : i32
    %dma_wait3A_100 = tpu.memref_slice %arg2[%dma_wait3A_98, %dma_wait3A_99] : memref<100000x64xf32, #tpu.memory_space<hbm>> -> memref<100000x64xf32, #tpu.memory_space<hbm>>
    tpu.wait_indirect_dma semaphore(%arg7 : memref<!tpu.dma_semaphore, #tpu.memory_space<semaphore_mem>>) src(%dma_wait3A_100 : memref<100000x64xf32, #tpu.memory_space<hbm>>) dst(%dma_wait3A_94 : memref<128x64xf32, #tpu.memory_space<vmem>>)
    %dma_wait3A_101 = arith.constant 3 : i32
    %dma_wait3A_102 = arith.constant 384 : i32
    %dma_wait3A_103 = arith.constant 0 : i32
    %dma_wait3A_104 = tpu.memref_slice %arg6[%dma_wait3A_102, %dma_wait3A_103] : memref<512x64xf32, #tpu.memory_space<vmem>> -> memref<128x64xf32, #tpu.memory_space<vmem>>
    %dma_wait3A_105 = arith.constant 0 : i32
    %dma_wait3A_106 = tpu.memref_slice %arg5[%dma_wait3A_101, %dma_wait3A_105] : memref<4x128xi32, #tpu.memory_space<vmem>> -> memref<1x128xi32, #tpu.memory_space<vmem>>
    %dma_wait3A_107 = tpu.memref_squeeze %dma_wait3A_106 : memref<1x128xi32, #tpu.memory_space<vmem>> -> memref<128xi32, #tpu.memory_space<vmem>>
    %dma_wait3A_108 = arith.constant 0 : i32
    %dma_wait3A_109 = arith.constant 0 : i32
    %dma_wait3A_110 = tpu.memref_slice %arg2[%dma_wait3A_108, %dma_wait3A_109] : memref<100000x64xf32, #tpu.memory_space<hbm>> -> memref<100000x64xf32, #tpu.memory_space<hbm>>
    tpu.wait_indirect_dma semaphore(%arg7 : memref<!tpu.dma_semaphore, #tpu.memory_space<semaphore_mem>>) src(%dma_wait3A_110 : memref<100000x64xf32, #tpu.memory_space<hbm>>) dst(%dma_wait3A_104 : memref<128x64xf32, #tpu.memory_space<vmem>>)
    %mul3A_111 = arith.constant 1024 : i32
    %mul3A_112 = arith.muli %select_n3A, %mul3A_111 : i32
    %jit3A_113 = arith.constant 2 : i32
    %eq3A_114 = arith.constant 0 : i32
    %eq3A_115 = arith.cmpi eq, %jit3A_113, %eq3A_114 : i32
    %jit3A_116 = arith.constant 1 : i32
    %select_n3A_117 = arith.select %eq3A_115, %jit3A_116, %jit3A_113 : i32
    %rem3A_118 = arith.remsi %select_n3A_30, %select_n3A_117 : i32
    %ne3A_119 = arith.constant 0 : i32
    %ne3A_120 = arith.cmpi ne, %rem3A_118, %ne3A_119 : i32
    %lt3A_121 = arith.constant 0 : i32
    %lt3A_122 = arith.cmpi slt, %rem3A_118, %lt3A_121 : i32
    %lt3A_123 = arith.constant 0 : i32
    %lt3A_124 = arith.cmpi slt, %select_n3A_117, %lt3A_123 : i32
    %ne3A_125 = arith.xori %lt3A_122, %lt3A_124 : i1
    %and3A_126 = arith.andi %ne3A_125, %ne3A_120 : i1
    %add3A_127 = arith.addi %rem3A_118, %select_n3A_117 : i32
    %select_n3A_128 = arith.select %and3A_126, %add3A_127, %rem3A_118 : i32
    %mul3A_129 = arith.constant 512 : i32
    %mul3A_130 = arith.muli %select_n3A_128, %mul3A_129 : i32
    %add3A_131 = arith.addi %mul3A_112, %mul3A_130 : i32
    %jit3A_132 = arith.constant 2 : i32
    %div3A_133 = arith.divsi %select_n3A_30, %jit3A_132 : i32
    %sign3A_134 = arith.constant 0 : i32
    %sign3A_135 = arith.cmpi sgt, %select_n3A_30, %sign3A_134 : i32
    %sign3A_136 = arith.extui %sign3A_135 : i1 to i32
    %sign3A_137 = arith.constant 0 : i32
    %sign3A_138 = arith.cmpi slt, %select_n3A_30, %sign3A_137 : i32
    %sign3A_139 = arith.extui %sign3A_138 : i1 to i32
    %sign3A_140 = arith.subi %sign3A_136, %sign3A_139 : i32
    %sign3A_141 = arith.constant 0 : i32
    %sign3A_142 = arith.cmpi sgt, %jit3A_132, %sign3A_141 : i32
    %sign3A_143 = arith.extui %sign3A_142 : i1 to i32
    %sign3A_144 = arith.constant 0 : i32
    %sign3A_145 = arith.cmpi slt, %jit3A_132, %sign3A_144 : i32
    %sign3A_146 = arith.extui %sign3A_145 : i1 to i32
    %sign3A_147 = arith.subi %sign3A_143, %sign3A_146 : i32
    %ne3A_148 = arith.cmpi ne, %sign3A_140, %sign3A_147 : i32
    %rem3A_149 = arith.remsi %select_n3A_30, %jit3A_132 : i32
    %ne3A_150 = arith.constant 0 : i32
    %ne3A_151 = arith.cmpi ne, %rem3A_149, %ne3A_150 : i32
    %and3A_152 = arith.andi %ne3A_148, %ne3A_151 : i1
    %sub3A_153 = arith.constant 1 : i32
    %sub3A_154 = arith.subi %div3A_133, %sub3A_153 : i32
    %select_n3A_155 = arith.select %and3A_152, %sub3A_154, %div3A_133 : i32
    %mul3A_156 = arith.constant 64 : i32
    %mul3A_157 = arith.muli %select_n3A_155, %mul3A_156 : i32
    "tpu.region"() ({
      %run_scoped3A = tpu.sem_alloc : memref<!tpu.dma_semaphore, #tpu.memory_space<semaphore_mem>>
      %dma_start3A_158 = tpu.memref_slice %arg4[%add3A_131, %mul3A_157] : memref<8192x128xf32, #tpu.memory_space<hbm>> -> memref<512x64xf32, #tpu.memory_space<hbm>>
      %dma_start3A_159 = tpu.memref_slice %arg4[%add3A_131, %mul3A_157] : memref<8192x128xf32, #tpu.memory_space<hbm>> -> memref<512x64xf32, #tpu.memory_space<hbm>>
      tpu.enqueue_dma source(%arg6 : memref<512x64xf32, #tpu.memory_space<vmem>>) target(%dma_start3A_159 : memref<512x64xf32, #tpu.memory_space<hbm>>) target_semaphore(%run_scoped3A : memref<!tpu.dma_semaphore, #tpu.memory_space<semaphore_mem>>)
      %dma_wait3A_160 = tpu.memref_slice %arg4[%add3A_131, %mul3A_157] : memref<8192x128xf32, #tpu.memory_space<hbm>> -> memref<512x64xf32, #tpu.memory_space<hbm>>
      %dma_wait3A_161 = tpu.memref_slice %arg4[%add3A_131, %mul3A_157] : memref<8192x128xf32, #tpu.memory_space<hbm>> -> memref<512x64xf32, #tpu.memory_space<hbm>>
      tpu.wait_dma2 semaphore(%run_scoped3A : memref<!tpu.dma_semaphore, #tpu.memory_space<semaphore_mem>>) src(%arg6 : memref<512x64xf32, #tpu.memory_space<vmem>>) dst(%dma_wait3A_161 : memref<512x64xf32, #tpu.memory_space<hbm>>)
      tpu.yield
    }) : () -> ()
    return
  }
}

module attributes {stable_mosaic.version = 14 : i64} {
  func.func @_detile_body(%arg0: memref<8x2048xi32, #tpu.memory_space<vmem>>, %arg1: memref<128x128xi32, #tpu.memory_space<vmem>>) attributes {dimension_semantics = [], scalar_prefetch = 0 : i64, scratch_operands = 0 : i64, tpu.core_type = #tpu.core_type<tc>} {
    %get3A = arith.constant 0 : index
    %get3A_0 = arith.constant 0 : index
    %get3A_1 = vector.load %arg0[%get3A, %get3A_0] : memref<8x2048xi32, #tpu.memory_space<vmem>>, vector<8x2048xi32>
    %reshape3A = vector.shape_cast %get3A_1 : vector<8x2048xi32> to vector<128x128xi32>
    %swap3A = arith.constant 0 : index
    %swap3A_2 = arith.constant 0 : index
    %swap3A_3 = vector.load %arg1[%swap3A, %swap3A_2] : memref<128x128xi32, #tpu.memory_space<vmem>>, vector<128x128xi32>
    tpu.vector_store %arg1[%swap3A, %swap3A_2], %reshape3A {strides = array<i32>} : memref<128x128xi32, #tpu.memory_space<vmem>>, vector<128x128xi32>,
    return
  }
}

module attributes {stable_mosaic.version = 14 : i64} {
  func.func @_tc_body(%arg0: i32, %arg1: memref<1x1024x128xf32, #tpu.memory_space<vmem>>, %arg2: memref<1x1x2048xi32, #tpu.memory_space<vmem>>, %arg3: memref<2x64xf32, #tpu.memory_space<vmem>>, %arg4: memref<1x2048x2048xf32, #tpu.memory_space<vmem>>, %arg5: memref<64x64xf32, #tpu.memory_space<vmem>>, %arg6: memref<1x64xf32, #tpu.memory_space<vmem>>, %arg7: memref<64x64xf32, #tpu.memory_space<vmem>>, %arg8: memref<1x64xf32, #tpu.memory_space<vmem>>, %arg9: memref<64x20xf32, #tpu.memory_space<vmem>>, %arg10: memref<1x20xf32, #tpu.memory_space<vmem>>, %arg11: memref<8x20xf32, #tpu.memory_space<vmem>>) attributes {dimension_semantics = [#tpu.dimension_semantics<arbitrary>], iteration_bounds = array<i64: 8>, scalar_prefetch = 0 : i64, scratch_operands = 0 : i64, tpu.core_type = #tpu.core_type<tc>, window_params = [{transform_indices = @transform_0, window_bounds = array<i64: 1, 1024, 128>}, {transform_indices = @transform_1, window_bounds = array<i64: 1, 1, 2048>}, {pipeline_mode = #tpu.pipeline_mode<synchronous>, transform_indices = @transform_2, window_bounds = array<i64: 2, 64>}, {transform_indices = @transform_3, window_bounds = array<i64: 1, 2048, 2048>}, {pipeline_mode = #tpu.pipeline_mode<synchronous>, transform_indices = @transform_4, window_bounds = array<i64: 64, 64>}, {pipeline_mode = #tpu.pipeline_mode<synchronous>, transform_indices = @transform_5, window_bounds = array<i64: 1, 64>}, {pipeline_mode = #tpu.pipeline_mode<synchronous>, transform_indices = @transform_6, window_bounds = array<i64: 64, 64>}, {pipeline_mode = #tpu.pipeline_mode<synchronous>, transform_indices = @transform_7, window_bounds = array<i64: 1, 64>}, {pipeline_mode = #tpu.pipeline_mode<synchronous>, transform_indices = @transform_8, window_bounds = array<i64: 64, 20>}, {pipeline_mode = #tpu.pipeline_mode<synchronous>, transform_indices = @transform_9, window_bounds = array<i64: 1, 20>}, {pipeline_mode = #tpu.pipeline_mode<synchronous>, transform_indices = @transform_10, window_bounds = array<i64: 8, 20>}]} {
    %get3A = arith.constant 0 : index
    %get3A_0 = arith.constant 0 : index
    %get3A_1 = arith.constant 0 : index
    %get3A_2 = vector.load %arg1[%get3A, %get3A_0, %get3A_1] : memref<1x1024x128xf32, #tpu.memory_space<vmem>>, vector<1x1024x128xf32>
    %get3A_3 = vector.shape_cast %get3A_2 : vector<1x1024x128xf32> to vector<1024x128xf32>
    %slice3A = vector.extract_strided_slice %get3A_3 {offsets = [0, 0], sizes = [1024, 64], strides = [1, 1]} : vector<1024x128xf32> to vector<1024x64xf32>
    %slice3A_4 = vector.extract_strided_slice %get3A_3 {offsets = [0, 64], sizes = [1024, 64], strides = [1, 1]} : vector<1024x128xf32> to vector<1024x64xf32>
    %concatenate3A = tpu.concatenate %slice3A, %slice3A_4 in 0 : vector<1024x64xf32>, vector<1024x64xf32> -> vector<2048x64xf32>
    %get3A_5 = arith.constant 0 : index
    %get3A_6 = arith.constant 0 : index
    %get3A_7 = arith.constant 0 : index
    %get3A_8 = vector.load %arg2[%get3A_5, %get3A_6, %get3A_7] : memref<1x1x2048xi32, #tpu.memory_space<vmem>>, vector<1x1x2048xi32>
    %get3A_9 = vector.shape_cast %get3A_8 : vector<1x1x2048xi32> to vector<2048xi32>
    %get3A_10 = arith.constant 0 : index
    %get3A_11 = arith.constant 0 : index
    %get3A_12 = vector.load %arg3[%get3A_10, %get3A_11] : memref<2x64xf32, #tpu.memory_space<vmem>>, vector<2x64xf32>
    %logistic3A = arith.negf %get3A_12 : vector<2x64xf32>
    %logistic3A_13 = math.exp %logistic3A : vector<2x64xf32>
    %logistic3A_14 = arith.constant 1.000000e+00 : f32
    %logistic3A_15 = vector.broadcast %logistic3A_14 : f32 to vector<2x64xf32>
    %logistic3A_16 = arith.addf %logistic3A_15, %logistic3A_13 : vector<2x64xf32>
    %logistic3A_17 = arith.divf %logistic3A_15, %logistic3A_16 : vector<2x64xf32>
    %broadcast_in_dim3A = vector.shape_cast %get3A_9 : vector<2048xi32> to vector<2048x1xi32>
    %eq3A = arith.constant 1 : i32
    %eq3A_18 = vector.broadcast %eq3A : i32 to vector<2048x1xi32>
    %eq3A_19 = arith.cmpi eq, %broadcast_in_dim3A, %eq3A_18 : vector<2048x1xi32>
    %slice3A_20 = vector.extract_strided_slice %logistic3A_17 {offsets = [1, 0], sizes = [1, 64], strides = [1, 1]} : vector<2x64xf32> to vector<1x64xf32>
    %slice3A_21 = vector.extract_strided_slice %logistic3A_17 {offsets = [0, 0], sizes = [1, 64], strides = [1, 1]} : vector<2x64xf32> to vector<1x64xf32>
    %broadcast_in_dim3A_22 = vector.shape_cast %eq3A_19 : vector<2048x1xi1> to vector<2048x1xi1>
    %broadcast_in_dim3A_23 = vector.broadcast %broadcast_in_dim3A_22 : vector<2048x1xi1> to vector<2048x64xi1>
    %broadcast_in_dim3A_24 = vector.shape_cast %slice3A_20 : vector<1x64xf32> to vector<1x64xf32>
    %broadcast_in_dim3A_25 = vector.broadcast %broadcast_in_dim3A_24 : vector<1x64xf32> to vector<2048x64xf32>
    %broadcast_in_dim3A_26 = vector.shape_cast %slice3A_21 : vector<1x64xf32> to vector<1x64xf32>
    %broadcast_in_dim3A_27 = vector.broadcast %broadcast_in_dim3A_26 : vector<1x64xf32> to vector<2048x64xf32>
    %select_n3A = arith.select %broadcast_in_dim3A_23, %broadcast_in_dim3A_25, %broadcast_in_dim3A_27 : vector<2048x64xi1>, vector<2048x64xf32>
    %mul3A = arith.mulf %concatenate3A, %select_n3A : vector<2048x64xf32>
    %get3A_28 = arith.constant 0 : index
    %get3A_29 = arith.constant 0 : index
    %get3A_30 = vector.load %arg5[%get3A_28, %get3A_29] : memref<64x64xf32, #tpu.memory_space<vmem>>, vector<64x64xf32>
    %dot_general3A = arith.constant dense<0.000000e+00> : vector<2048x64xf32>
    %dot_general3A_31 = tpu.matmul %mul3A, %get3A_30, %dot_general3A {dimension_numbers = #tpu.dot_dimension_numbers<[1], [0], [0], [1], [0, 0, 1, 1], [], []>, transpose_lhs_hint = false} : vector<2048x64xf32>, vector<64x64xf32>, vector<2048x64xf32> -> vector<2048x64xf32>
    %get3A_32 = arith.constant 0 : index
    %get3A_33 = arith.constant 0 : index
    %get3A_34 = arith.constant 0 : index
    %get3A_35 = vector.load %arg4[%get3A_32, %get3A_33, %get3A_34] : memref<1x2048x2048xf32, #tpu.memory_space<vmem>>, vector<1x2048x2048xf32>
    %get3A_36 = vector.shape_cast %get3A_35 : vector<1x2048x2048xf32> to vector<2048x2048xf32>
    %dot_general3A_37 = arith.constant dense<0.000000e+00> : vector<2048x64xf32>
    %dot_general3A_38 = tpu.matmul %get3A_36, %dot_general3A_31, %dot_general3A_37 {dimension_numbers = #tpu.dot_dimension_numbers<[1], [0], [0], [1], [0, 0, 1, 1], [], []>, transpose_lhs_hint = false} : vector<2048x2048xf32>, vector<2048x64xf32>, vector<2048x64xf32> -> vector<2048x64xf32>
    %get3A_39 = arith.constant 0 : index
    %get3A_40 = arith.constant 0 : index
    %get3A_41 = vector.load %arg6[%get3A_39, %get3A_40] : memref<1x64xf32, #tpu.memory_space<vmem>>, vector<1x64xf32>
    %add3A = vector.broadcast %get3A_41 : vector<1x64xf32> to vector<2048x64xf32>
    %add3A_42 = arith.addf %dot_general3A_38, %add3A : vector<2048x64xf32>
    %mul3A_43 = arith.constant 5.000000e-01 : f32
    %mul3A_44 = vector.broadcast %mul3A_43 : f32 to vector<2048x64xf32>
    %mul3A_45 = arith.mulf %mul3A_44, %add3A_42 : vector<2048x64xf32>
    %mul3A_46 = arith.constant 0.707106769 : f32
    %mul3A_47 = vector.broadcast %mul3A_46 : f32 to vector<2048x64xf32>
    %mul3A_48 = arith.mulf %add3A_42, %mul3A_47 : vector<2048x64xf32>
    %erf3A = math.erf %mul3A_48 : vector<2048x64xf32>
    %add3A_49 = arith.constant 1.000000e+00 : f32
    %add3A_50 = vector.broadcast %add3A_49 : f32 to vector<2048x64xf32>
    %add3A_51 = arith.addf %add3A_50, %erf3A : vector<2048x64xf32>
    %mul3A_52 = arith.mulf %mul3A_45, %add3A_51 : vector<2048x64xf32>
    %reduce_sum3A = arith.constant dense<0.000000e+00> : vector<2048xf32>
    %reduce_sum3A_53 = vector.multi_reduction <add>, %get3A_36, %reduce_sum3A [0] : vector<2048x2048xf32> to vector<2048xf32>
    %broadcast_in_dim3A_54 = vector.shape_cast %reduce_sum3A_53 : vector<2048xf32> to vector<1x2048xf32>
    %dot_general3A_55 = arith.constant dense<0.000000e+00> : vector<1x64xf32>
    %dot_general3A_56 = tpu.matmul %broadcast_in_dim3A_54, %mul3A_52, %dot_general3A_55 {dimension_numbers = #tpu.dot_dimension_numbers<[1], [0], [0], [1], [0, 0, 1, 1], [], []>, transpose_lhs_hint = false} : vector<1x2048xf32>, vector<2048x64xf32>, vector<1x64xf32> -> vector<1x64xf32>
    %get3A_57 = arith.constant 0 : index
    %get3A_58 = arith.constant 0 : index
    %get3A_59 = vector.load %arg7[%get3A_57, %get3A_58] : memref<64x64xf32, #tpu.memory_space<vmem>>, vector<64x64xf32>
    %dot_general3A_60 = arith.constant dense<0.000000e+00> : vector<1x64xf32>
    %dot_general3A_61 = tpu.matmul %dot_general3A_56, %get3A_59, %dot_general3A_60 {dimension_numbers = #tpu.dot_dimension_numbers<[1], [0], [0], [1], [0, 0, 1, 1], [], []>, transpose_lhs_hint = false} : vector<1x64xf32>, vector<64x64xf32>, vector<1x64xf32> -> vector<1x64xf32>
    %get3A_62 = arith.constant 0 : index
    %get3A_63 = arith.constant 0 : index
    %get3A_64 = vector.load %arg8[%get3A_62, %get3A_63] : memref<1x64xf32, #tpu.memory_space<vmem>>, vector<1x64xf32>
    %mul3A_65 = arith.constant 2.048000e+03 : f32
    %mul3A_66 = vector.broadcast %mul3A_65 : f32 to vector<1x64xf32>
    %mul3A_67 = arith.mulf %mul3A_66, %get3A_64 : vector<1x64xf32>
    %add3A_68 = arith.addf %dot_general3A_61, %mul3A_67 : vector<1x64xf32>
    %get3A_69 = arith.constant 0 : index
    %get3A_70 = arith.constant 0 : index
    %get3A_71 = vector.load %arg9[%get3A_69, %get3A_70] : memref<64x20xf32, #tpu.memory_space<vmem>>, vector<64x20xf32>
    %dot_general3A_72 = arith.constant dense<0.000000e+00> : vector<1x20xf32>
    %dot_general3A_73 = tpu.matmul %add3A_68, %get3A_71, %dot_general3A_72 {dimension_numbers = #tpu.dot_dimension_numbers<[1], [0], [0], [1], [0, 0, 1, 1], [], []>, transpose_lhs_hint = false} : vector<1x64xf32>, vector<64x20xf32>, vector<1x20xf32> -> vector<1x20xf32>
    %get3A_74 = arith.constant 0 : index
    %get3A_75 = arith.constant 0 : index
    %get3A_76 = vector.load %arg10[%get3A_74, %get3A_75] : memref<1x20xf32, #tpu.memory_space<vmem>>, vector<1x20xf32>
    %add3A_77 = arith.addf %dot_general3A_73, %get3A_76 : vector<1x20xf32>
    %reduce_max3A = arith.constant dense<0xFF800000> : vector<1xf32>
    %reduce_max3A_78 = vector.multi_reduction <maximumf>, %add3A_77, %reduce_max3A [1] : vector<1x20xf32> to vector<1xf32>
    %broadcast_in_dim3A_79 = vector.shape_cast %reduce_max3A_78 : vector<1xf32> to vector<1x1xf32>
    %sub3A = vector.broadcast %broadcast_in_dim3A_79 : vector<1x1xf32> to vector<1x20xf32>
    %sub3A_80 = arith.subf %add3A_77, %sub3A : vector<1x20xf32>
    %exp3A = math.exp %sub3A_80 : vector<1x20xf32>
    %reduce_sum3A_81 = arith.constant dense<0.000000e+00> : vector<1xf32>
    %reduce_sum3A_82 = vector.multi_reduction <add>, %exp3A, %reduce_sum3A_81 [1] : vector<1x20xf32> to vector<1xf32>
    %broadcast_in_dim3A_83 = vector.shape_cast %reduce_sum3A_82 : vector<1xf32> to vector<1x1xf32>
    %log3A = math.log %broadcast_in_dim3A_83 : vector<1x1xf32>
    %add3A_84 = arith.addf %log3A, %broadcast_in_dim3A_79 : vector<1x1xf32>
    %sub3A_85 = vector.broadcast %add3A_84 : vector<1x1xf32> to vector<1x20xf32>
    %sub3A_86 = arith.subf %add3A_77, %sub3A_85 : vector<1x20xf32>
    %swap3A = arith.index_cast %arg0 : i32 to index
    %swap3A_87 = arith.constant 0 : index
    %swap3A_88 = vector.load %arg11[%swap3A, %swap3A_87] : memref<8x20xf32, #tpu.memory_space<vmem>>, vector<1x20xf32>
    tpu.vector_store %arg11[%swap3A, %swap3A_87], %sub3A_86 {strides = array<i32>} : memref<8x20xf32, #tpu.memory_space<vmem>>, vector<1x20xf32>,
    return
  }
  func.func @transform_0(%arg0: i32) -> (i32, i32, i32) {
    %c0_i32 = arith.constant 0 : i32
    %c0_i32_0 = arith.constant 0 : i32
    %c0_i32_1 = arith.constant 0 : i32
    return %arg0, %c0_i32, %c0_i32_0 : i32, i32, i32
  }
  func.func @transform_1(%arg0: i32) -> (i32, i32, i32) {
    %c0_i32 = arith.constant 0 : i32
    %c0_i32_0 = arith.constant 0 : i32
    %c0_i32_1 = arith.constant 0 : i32
    return %arg0, %c0_i32, %c0_i32_0 : i32, i32, i32
  }
  func.func @transform_2(%arg0: i32) -> (i32, i32) {
    %c0_i32 = arith.constant 0 : i32
    %c0_i32_0 = arith.constant 0 : i32
    %c0_i32_1 = arith.constant 0 : i32
    return %c0_i32, %c0_i32_0 : i32, i32
  }
  func.func @transform_3(%arg0: i32) -> (i32, i32, i32) {
    %c0_i32 = arith.constant 0 : i32
    %c0_i32_0 = arith.constant 0 : i32
    %c0_i32_1 = arith.constant 0 : i32
    return %arg0, %c0_i32, %c0_i32_0 : i32, i32, i32
  }
  func.func @transform_4(%arg0: i32) -> (i32, i32) {
    %c0_i32 = arith.constant 0 : i32
    %c0_i32_0 = arith.constant 0 : i32
    %c0_i32_1 = arith.constant 0 : i32
    return %c0_i32, %c0_i32_0 : i32, i32
  }
  func.func @transform_5(%arg0: i32) -> (i32, i32) {
    %c0_i32 = arith.constant 0 : i32
    %c0_i32_0 = arith.constant 0 : i32
    %c0_i32_1 = arith.constant 0 : i32
    return %c0_i32, %c0_i32_0 : i32, i32
  }
  func.func @transform_6(%arg0: i32) -> (i32, i32) {
    %c0_i32 = arith.constant 0 : i32
    %c0_i32_0 = arith.constant 0 : i32
    %c0_i32_1 = arith.constant 0 : i32
    return %c0_i32, %c0_i32_0 : i32, i32
  }
  func.func @transform_7(%arg0: i32) -> (i32, i32) {
    %c0_i32 = arith.constant 0 : i32
    %c0_i32_0 = arith.constant 0 : i32
    %c0_i32_1 = arith.constant 0 : i32
    return %c0_i32, %c0_i32_0 : i32, i32
  }
  func.func @transform_8(%arg0: i32) -> (i32, i32) {
    %c0_i32 = arith.constant 0 : i32
    %c0_i32_0 = arith.constant 0 : i32
    %c0_i32_1 = arith.constant 0 : i32
    return %c0_i32, %c0_i32_0 : i32, i32
  }
  func.func @transform_9(%arg0: i32) -> (i32, i32) {
    %c0_i32 = arith.constant 0 : i32
    %c0_i32_0 = arith.constant 0 : i32
    %c0_i32_1 = arith.constant 0 : i32
    return %c0_i32, %c0_i32_0 : i32, i32
  }
  func.func @transform_10(%arg0: i32) -> (i32, i32) {
    %c0_i32 = arith.constant 0 : i32
    %c0_i32_0 = arith.constant 0 : i32
    %c0_i32_1 = arith.constant 0 : i32
    return %c0_i32, %c0_i32_0 : i32, i32
  }
}

</mosaic_0001>

<sc_bundles>
// kernel: kernel.5.cloned.1.call-start
scs
__scs_entry_jumppad:
0x0: {  	(pc) =	sbr.rel $0x88, $3  }
0x1: {  	(tag) =	ssettag $0x0;
	lr =	simm.s32 $0x1  }
0x2: {  	[smem:$0x3F96] =	sst lr;
	_ =	strace $0xD0000000  }
0x3: {  	_ = 	snop  }
0x4: {  	_ = 	snop  }
0x5: {  	_ = 	snop  }
0x6: {  	_ = 	snop  }
0x7: {  	_ = 	snop  }
__scs_overlays_trampoline_lowered:
0x8: {  	[smem:$0x3FA5] =	sst s0  }
0x9: {  	[smem:$0x3FA6] =	sst s1  }
0xa: {  	[smem:$0x3FA7] =	sst s2  }
0xb: {  	[smem:$0x3FA8] =	sst s3  }
0xc: {  	[smem:$0x3FA9] =	sst s4  }
0xd: {  	[smem:$0x3FAA] =	sst s5  }
0xe: {  	[smem:$0x3FAB] =	sst s6  }
0xf: {  	[smem:$0x3FAC] =	sst s7  }
0x10: {  	[smem:$0x3FAD] =	sst s8  }
0x11: {  	[smem:$0x3FAE] =	sst s9;
	s0 =	simm.s32 @!p0 $0x0  }
0x12: {  	s1 =	sld [smem:$0x3F94];
	s0 =	simm.s32 @p0 $0x1  }
0x13: {  	[smem:$0x3FAF] =	sst s0;
	s0 =	simm.s32 @!p1 $0x0  }
0x14: {  	s2 =	sld [smem:$0x3F93];
	s0 =	simm.s32 @p1 $0x1  }
0x15: {  	[smem:$0x3FB0] =	sst s0;
	s0 =	simm.s32 @!p2 $0x0  }
0x16: {  	s3 =	sld [smem:$0x3FDB];
	s0 =	simm.s32 @p2 $0x1  }
0x17: {  	s4 =	simm.s32 $0x1BF5;
	[smem:$0x3FB2] =	sst s0  }
0x18: {  	s0 =	sld [smem:$0x3F95];
	_ =	swait.ge [sflag:s4], $0x0  }
0x19: {  	s7 =	sld [smem:$0x3F96]  }
0x1a: {  	s8 =	sadd.s32 $0xFFFFE003, lr  }
0x1b: {  	s9 =	sadd.s32 $0xFFFFFEF7, lr;
	s5 =	simm.s32 $0xFFFFFFFF;
	p2 =	slt.u32 s8, $0xFFFFF086  }
0x1c: {  	p1 =	slt.u32 s9, $0xF7A;
	s5 =	simm.s32 @!p2 $0x0  }
0x1d: {  	s5 =	simm.s32 @p1 $0x1;
	p0 =	seq.s32 s7, s2  }
0x1e: {  	s7 =	smul.u32 @!p0 $0xF7A, s2;
	p2 =	seq.s32 @!p0 s5, $0x0  }
0x1f: {  	s9 =	smul.u32 $0xF7A, s1;
	s8 =	simm.s32 @!p0 $0x1BF5;
	p2 =	por !p2, p0  }
0x20: {  	[sflag:s8] =	ssyncset.s32 @!p0 $0xFFFFF086;
	s6 =	sadd.s32 @!p0 s3, s7;
	s7 =	simm.s32 @!p0 $0x108  }
0x21: {  	s3 =	sadd.s32 s3, s9;
	s6 =	sadd.s32 @!p0 $0x88, s6;
	s7 =	simm.s32 @p2 $0x1082  }
0x22: {  	[simem:s7], [sflag:s8] =	dma.local @!p0 [hbm:s6], $0xF7A  }
0x23: {  	s9 =	sor.u32 $0xD0000000, s2;
	s6 =	simm.s32 $0x108;
	_ =	swait.ge @!p0 [sflag:s8], $0x0  }
0x24: {  	s3 =	sadd.s32 $0x88, s3;
	s6 =	simm.s32 @!p1 $0x1082;
	[sflag:s4] =	ssyncset.s32 $0xFFFFF086  }
0x25: {  	[simem:s6], [sflag:s4] =	dma.local [hbm:s3], $0xF7A  }
0x26: {  	[smem:$0x3F96] =	sst s1;
	(tag) =	ssettag s2;
	_ =	strace s9  }
0x27: {  	s1 =	sld [smem:$0x3FA6]  }
0x28: {  	s2 =	sld [smem:$0x3FA7]  }
0x29: {  	s4 =	sld [smem:$0x3FA9]  }
0x2a: {  	p0 =	seq.s32 s5, $0x0;
	s5 =	sld [smem:$0x3FAA]  }
0x2b: {  	s6 =	sld [smem:$0x3FAB]  }
0x2c: {  	s7 =	sld [smem:$0x3FAC]  }
0x2d: {  	s3 =	simm.s32 $0x108;
	s8 =	sld [smem:$0x3FAD]  }
0x2e: {  	s3 =	simm.s32 @!p0 $0x1082;
	s9 =	sld [smem:$0x3FAE]  }
0x2f: {  	lr =	sadd.s32 s0, s3;
	s0 =	sld [smem:$0x3FA5]  }
0x30: {  	s3 =	sld [smem:$0x3FA8]  }
0x31: {  	[smem:$0x3FB1] =	sst s10  }
0x32: {  	s10 =	sld [smem:$0x3FAF];
	_ =	sdelay $0x3  }
0x33: {  	p0 =	seq.s32 s10, $0x1;
	s10 =	sld [smem:$0x3FB1];
	_ =	sdelay $0x3  }
0x34: {  	[smem:$0x3FB1] =	sst s10  }
0x35: {  	s10 =	sld [smem:$0x3FB0];
	_ =	sdelay $0x3  }
0x36: {  	p1 =	seq.s32 s10, $0x1;
	s10 =	sld [smem:$0x3FB1];
	_ =	sdelay $0x3  }
0x37: {  	[smem:$0x3FB1] =	sst s10  }
0x38: {  	s10 =	sld [smem:$0x3FB2]  }
0x39: {  	_ = 	snop;
	(pc) =	sbr.ind lr, $3  }
0x3a: {  	_ = 	snop  }
0x3b: {  	_ = 	snop  }
0x3c: {  	p2 =	seq.s32 s10, $0x1;
	s10 =	sld [smem:$0x3FB1]  }
0x3d: {  	_ =	shalt  }
0x3e: {  	_ =	shalt  }
0x3f: {  	_ =	shalt  }
0x40: {  	_ =	shalt  }
0x41: {  	_ =	shalt  }
0x42: {  	_ =	shalt  }
0x43: {  	_ =	shalt  }
0x44: {  	_ =	shalt  }
0x45: {  	_ =	shalt  }
0x46: {  	_ =	shalt  }
0x47: {  	_ =	shalt  }
0x48: {  	_ =	shalt  }
0x49: {  	_ =	shalt  }
0x4a: {  	_ =	shalt  }
0x4b: {  	_ =	shalt  }
0x4c: {  	_ =	shalt  }
0x4d: {  	_ =	shalt  }
0x4e: {  	_ =	shalt  }
0x4f: {  	_ =	shalt  }
0x50: {  	_ =	shalt  }
0x51: {  	_ =	shalt  }
0x52: {  	_ =	shalt  }
0x53: {  	_ =	shalt  }
0x54: {  	_ =	shalt  }
0x55: {  	_ =	shalt  }
0x56: {  	_ =	shalt  }
0x57: {  	_ =	shalt  }
0x58: {  	_ =	shalt  }
0x59: {  	_ =	shalt  }
0x5a: {  	_ =	shalt  }
0x5b: {  	_ =	shalt  }
0x5c: {  	_ =	shalt  }
0x5d: {  	_ =	shalt  }
0x5e: {  	_ =	shalt  }
0x5f: {  	_ =	shalt  }
0x60: {  	_ =	shalt  }
0x61: {  	_ =	shalt  }
0x62: {  	_ =	shalt  }
0x63: {  	_ =	shalt  }
0x64: {  	_ =	shalt  }
0x65: {  	_ =	shalt  }
0x66: {  	_ =	shalt  }
0x67: {  	_ =	shalt  }
0x68: {  	_ =	shalt  }
0x69: {  	_ =	shalt  }
0x6a: {  	_ =	shalt  }
0x6b: {  	_ =	shalt  }
0x6c: {  	_ =	shalt  }
0x6d: {  	_ =	shalt  }
0x6e: {  	_ =	shalt  }
0x6f: {  	_ =	shalt  }
0x70: {  	_ =	shalt  }
0x71: {  	_ =	shalt  }
0x72: {  	_ =	shalt  }
0x73: {  	_ =	shalt  }
0x74: {  	_ =	shalt  }
0x75: {  	_ =	shalt  }
0x76: {  	_ =	shalt  }
0x77: {  	_ =	shalt  }
0x78: {  	_ =	shalt  }
0x79: {  	_ =	shalt  }
0x7a: {  	_ =	shalt  }
0x7b: {  	_ =	shalt  }
0x7c: {  	_ =	shalt  }
0x7d: {  	_ =	shalt  }
0x7e: {  	_ =	shalt  }
0x7f: {  	_ =	shalt  }
0x80: {  	_ =	shalt  }
0x81: {  	_ =	shalt  }
0x82: {  	_ =	shalt  }
0x83: {  	_ =	shalt  }
0x84: {  	_ =	shalt  }
0x85: {  	_ =	shalt  }
0x86: {  	_ =	shalt  }
0x87: {  	_ =	shalt  }
.Lfunc_end0:
.L_simem_size_0:
called_computation_lowered:
.L_overlay_start_0:
0x88: {  	s2 =	sld [smem:$0x3FD9]  }
0x89: {  	s3 =	sld [smem:$0x3FFE];
	_ =	sdelay $0x1  }
0x8a: {  	s1 =	srdreg.scid  }
0x8b: {  	s0 =	sand.u32 $0x1, s1  }
0x8c: {  	s16 =	sshll.u32 s0, $0xA;
	s2 =	sadd.s32 s3, s2  }
0x8d: {  	s2 =	sadd.s32 s2, s16  }
0x8e: {  	[smem:$0x3FBD] =	sst s2  }
0x8f: {  	_ = 	snop  }
0x90: {  	(tm) =	ssettm $0x1  }
0x91: {  	s17 =	sld [smem:$0x3FFB];
	_ =	sdelay $0x3  }
0x92: {  	_ =	strace s17  }
0x93: {  	s2 =	sld [smem:$0x3FFC];
	_ =	sdelay $0x3  }
0x94: {  	_ =	strace s2  }
0x95: {  	s2 =	sld [smem:$0x3FFD];
	_ =	sdelay $0x3  }
0x96: {  	_ =	strace s2  }
0x97: {  	_ =	strace $0x8FFFFFFF  }
0x98: {  	s18 =	sld [smem:$0x3FDB];
	_ =	sdelay $0x1  }
0x99: {  	s19 =	simm.s32 $_scs_section_size  }
0x9a: {  	s4 =	simm.s32 $_size__tile_overlayer_lowered;
	s5 =	simm.s32 $_tile_overlayer_lowered  }
0x9b: {  	s22 =	simm.s32 $0x1BFF;
	s21 =	sshll.u32 s5, $0x1;
	s2 =	sadd.s32 s19, s18  }
0x9c: {  	s6 =	simm.s32 $0x0;
	s20 =	sshll.u32 s4, $0x1;
	s4 =	sadd.s32 s21, s2  }
0x9d: {  	[timem:s6], [sflag:s22] =	dma.local [hbm:s4], s20  }
0x9e: {  	_ =	swait.ge [sflag:s22], s20  }
0x9f: {  	s3 =	ssub.s32 $0x0, s20;
	[sflag:s22] =	ssyncset.done $0x0  }
0xa0: {  	[sflag:s22] =	ssyncadd.s32 s3;
	_ =	sdelay $0x1  }
0xa1: {  	s23 =	simm.s32 $0x1B8B  }
0xa2: {  	_ =	swait.ge [sflag:s23], $0x1  }
0xa3: {  	[sflag:s23] =	ssyncset.done $0x0  }
0xa4: {  	s25 =	simm.s32 $0x1B8E;
	s24 =	sld [smem:$0x3FFE];
	[sflag:s23] =	ssyncadd.s32 $0xFFFFFFFF  }
0xa5: {  	s26 =	simm.s32 $execute0_lowered;
	[smem:$0x3FD2] =	sst s25  }
0xa6: {  	s4 =	sshll.u32 s26, $0x1;
	_ =	strace $0x80000046;
	[dreg:$0x1] =	wrdreg $0xFFFFFFFF  }
0xa7: {  	s28 =	simm.s32 $_size_execute0_lowered;
	s2 =	sadd.s32 s2, s4;
	[dreg:$0x0] =	wrdreg $0x0  }
0xa8: {  	s4 =	sshll.u32 s28, $0x1;
	[dreg:$0x2] =	wrdreg s2  }
0xa9: {  	[dreg:$0x3] =	wrdreg s4  }
0xaa: {  	[dreg:$0x4] =	wrdreg $0xC0  }
0xab: {  	_ =	task [dreg:s6], $0x5FFFF  }
0xac: {  	[dreg:$0x1] =	wrdreg $0xFFFFFFFF  }
0xad: {  	[dreg:$0x0] =	wrdreg $0x60  }
0xae: {  	[dreg:$0x2] =	wrdreg s24  }
0xaf: {  	[dreg:$0x3] =	wrdreg $0x9  }
0xb0: {  	_ =	task.clear_ibuf [dreg:s6], $0x4FFFF;
	_ =	strace $0x90000046  }
0xb1: {  	s29 =	simm.s32 $0x9;
	_ =	strace $0x80000048  }
0xb2: {  	_ =	swait.ge [sflag:s29], $0x1  }
0xb3: {  	[sflag:s29] =	ssyncadd.s32 $0xFFFFFFFF  }
0xb4: {  	_ =	strace $0x90000048  }
0xb5: {  	_ =	sfence  }
0xb6: {  	s30 =	sld [smem:$0x0];
	_ =	sdelay $0x2  }
0xb7: {  	s31 =	sshll.u32 s1, $0xD;
	s1 =	sshrl.u32 s1, $0x2  }
0xb8: {  	s3 =	sand.u32 $0x4000, s31;
	s1 =	sadd.s32 s1, s30  }
0xb9: {  	s0 =	sor.u32 s3, s0;
	s1 =	sshll.u32 s1, $0x11  }
0xba: {  	s0 =	sor.u32 s1, s0  }
0xbb: {  	s0 =	sadd.s32 $0x8F2B, s0  }
0xbc: {  	[sflag:s0] =	ssyncadd.remote.s32 $0x1  }
0xbd: {  	_ =	sfence.sel $0xFFFF  }
0xbe: {  	[dreg:$0x0] =	wrdreg $0xFFFFFFFF;
	(pc) =	sbr.abs _section_cstart, $3  }
0xbf: {  	[dreg:$0x1] =	wrdreg $0xFFFFFFFF  }
0xc0: {  	_ =	task.clear_ibuf [dreg:s6], $0x2FFFF;
	_ =	strace $0x9FFFFFFF  }
0xc1: {  	(tm) =	ssettm $0x7FFFFFFF  }
tec
execute0_lowered:
.L_overlay_start_1:
0x0: {  	(tag) =	ssettag $0x1  }
0x1: {  	s1 =	srdreg.scid  }
0x2: {  	s0 =	stileid.u32;
	s14 =	sand.u32 $0x1, s1  }
0x3: {  	s15 =	rddreg [dreg:$0x0];
	s3 =	sshll.u32 s0, $0x7;
	s4 =	sshll.u32 s14, $0x6  }
0x4: {  	s2 =	simm.s32 $0x0;
	s1 =	rddreg [dreg:$0x1];
	s3 =	sor.u32 s4, s3  }
0x5: {  	[smem:$0x7FF] =	sst s2;
	s3 =	sadd.s32 s3, s15  }
0x6: {  	_ =	strace $0x80000047;
	s4 =	sadd.s32 $0xC00, s3;
	s3 =	simm.s32 $0x2  }
0x7: {  	[tilespmem:s2], [sflag:$0x2] =	stream.linear.gather [hbm4b:s4+s2], $0x200, $0x38;
	[tilespmem:$0x8200] =	vst v63  }
0x8: {  	_ =	swait.ge [sflag:s3], $0x200  }
0x9: {  	s6 =	simm.s32 $0x80;
	[sflag:s3] =	ssyncset.done $0x0  }
0xa: {  	s7 =	simm.s32 $0x200;
	s5 =	sadd.s32 $0x187600, s15;
	[sflag:s3] =	ssyncadd.s32 $0xFFFFFE00  }
0xb: {  	[tilespmem:s7], [sflag:$0x1] =	stream.indirect.gather [hbm4b:s5+s6], $0x40, s2, s6, $0xb8;
	[tilespmem:$0x8200] =	vst v63  }
0xc: {  	s8 =	simm.s32 $0x2200  }
0xd: {  	[tilespmem:s8], [sflag:$0x1] =	stream.indirect.gather [hbm4b:s5+s6], $0x40, s6, s6, $0xb8;
	[tilespmem:$0x8200] =	vst v63  }
0xe: {  	s9 =	simm.s32 $0x100;
	s10 =	simm.s32 $0x4200  }
0xf: {  	[tilespmem:s10], [sflag:$0x1] =	stream.indirect.gather [hbm4b:s5+s6], $0x40, s9, s6, $0xb8;
	[tilespmem:$0x8200] =	vst v63  }
0x10: {  	s11 =	simm.s32 $0x180;
	s12 =	simm.s32 $0x6200;
	s13 =	simm.s32 $0x1  }
0x11: {  	[tilespmem:s12], [sflag:$0x1] =	stream.indirect.gather [hbm4b:s5+s6], $0x40, s11, s6, $0xb8;
	[tilespmem:$0x8200] =	vst v63  }
0x12: {  	_ =	swait.ge [sflag:s13], $0x2000  }
0x13: {  	[sflag:s13] =	ssyncset.done $0x0  }
0x14: {  	[sflag:s13] =	ssyncadd.s32 $0xFFFFE000  }
0x15: {  	s16 =	sshll.u32 s0, $0x3;
	s17 =	sand.u32 $0xE, s0;
	_ =	swait.ge [sflag:s13], $0x2000  }
0x16: {  	s30 =	sor.u32 s14, s17;
	s14 =	ssub.s32 $0x2, s14;
	[sflag:s13] =	ssyncset.done $0x0  }
0x17: {  	s16 =	sand.u32 $0x8, s16;
	s31 =	sshrl.u32 s14, $0x1;
	[sflag:s13] =	ssyncadd.s32 $0xFFFFE000  }
0x18: {  	s15 =	sadd.s32 s16, s15;
	s16 =	sshll.u32 s30, $0xD;
	_ =	swait.ge [sflag:s13], $0x2000  }
0x19: {  	s15 =	sadd.s32 s16, s15;
	s16 =	ssub.s32 s14, s31;
	[sflag:s13] =	ssyncset.done $0x0  }
0x1a: {  	s16 =	smax.u32 s16, $0x1;
	[sflag:s13] =	ssyncadd.s32 $0xFFFFE000  }
0x1b: {  	p0 =	sne.s32 s16, $0x1;
	_ =	swait.ge [sflag:s13], $0x2000  }
.Ltmp0:
0x1c: {  	[sflag:s13] =	ssyncset.done $0x0;
	(pc) =	sbr.rel @!p0 .LBB2_2-.Ltmp0, $4  }
0x1d: {  	s14 =	sadd.s32 $0x1400, s15;
	s15 =	simm.s32 $0x40;
	[sflag:s13] =	ssyncadd.s32 $0xFFFFE000  }
0x1e: {  	[hbm4b:s14+s15] =	stream.strided.scatter [tilespmem:s7], [sflag:$0x2], $0x8000, s6, s15, $0x38;
	[tilespmem:$0x8200] =	vst v63  }
0x1f: {  	_ =	swait.ge [sflag:s3], $0x8000  }
0x20: {  	s16 =	sadd.s32 $0xFFFFFFFF, s16;
	[sflag:s3] =	ssyncset.done $0x0  }
.LBB2_1:
0x21: {  	p0 =	sne.s32 s16, $0x1;
	s16 =	sadd.s32 $0xFFFFFFFF, s16;
	[sflag:s3] =	ssyncadd.s32 $0xFFFF8000  }
0x22: {  	[tilespmem:s2], [sflag:$0x2] =	stream.linear.gather [hbm4b:s4+s2], $0x200, $0x38;
	[tilespmem:$0x8200] =	vst v63  }
0x23: {  	_ =	swait.ge [sflag:s3], $0x200  }
0x24: {  	[sflag:s3] =	ssyncset.done $0x0  }
0x25: {  	[sflag:s3] =	ssyncadd.s32 $0xFFFFFE00  }
0x26: {  	[tilespmem:s7], [sflag:$0x1] =	stream.indirect.gather [hbm4b:s5+s6], $0x40, s2, s6, $0xb8;
	[tilespmem:$0x8200] =	vst v63  }
0x27: {  	_ = 	snop  }
0x28: {  	[tilespmem:s8], [sflag:$0x1] =	stream.indirect.gather [hbm4b:s5+s6], $0x40, s6, s6, $0xb8;
	[tilespmem:$0x8200] =	vst v63  }
0x29: {  	_ = 	snop  }
0x2a: {  	[tilespmem:s10], [sflag:$0x1] =	stream.indirect.gather [hbm4b:s5+s6], $0x40, s9, s6, $0xb8;
	[tilespmem:$0x8200] =	vst v63  }
0x2b: {  	_ = 	snop  }
0x2c: {  	[tilespmem:s12], [sflag:$0x1] =	stream.indirect.gather [hbm4b:s5+s6], $0x40, s11, s6, $0xb8;
	[tilespmem:$0x8200] =	vst v63  }
0x2d: {  	_ =	swait.ge [sflag:s13], $0x2000  }
0x2e: {  	[sflag:s13] =	ssyncset.done $0x0  }
0x2f: {  	[sflag:s13] =	ssyncadd.s32 $0xFFFFE000  }
0x30: {  	_ =	swait.ge [sflag:s13], $0x2000  }
0x31: {  	[sflag:s13] =	ssyncset.done $0x0  }
0x32: {  	[sflag:s13] =	ssyncadd.s32 $0xFFFFE000  }
0x33: {  	_ =	swait.ge [sflag:s13], $0x2000  }
0x34: {  	[sflag:s13] =	ssyncset.done $0x0  }
0x35: {  	[sflag:s13] =	ssyncadd.s32 $0xFFFFE000  }
0x36: {  	_ =	swait.ge [sflag:s13], $0x2000  }
.Ltmp1:
0x37: {  	[sflag:s13] =	ssyncset.done $0x0;
	(pc) =	sbr.rel @p0 .LBB2_1-.Ltmp1, $4  }
0x38: {  	[sflag:s13] =	ssyncadd.s32 $0xFFFFE000  }
0x39: {  	[hbm4b:s14+s15] =	stream.strided.scatter [tilespmem:s7], [sflag:$0x2], $0x8000, s6, s15, $0x38;
	[tilespmem:$0x8200] =	vst v63  }
0x3a: {  	_ =	swait.ge [sflag:s3], $0x8000  }
0x3b: {  	[sflag:s3] =	ssyncset.done $0x0  }
.LBB2_2:
0x3c: {  	[sflag:s3] =	ssyncadd.s32 $0xFFFF8000  }
0x3d: {  	_ =	sfence.sel $0x180000  }
0x3e: {  	[bflag:$0x0] =	sbarrier.arrive $0xFFFF  }
0x3f: {  	p0 =	sne.s32 s0, $0x0;
	_ =	strace $0x90000047  }
0x40: {  	s0 =	sadd.s32 @!p0 $0x100000, s1;
	[bflag:$0x2] =	sbarrier.arrive $0xFFFF  }
0x41: {  	[sflag:s0] =	ssyncadd.tile.s32 @!p0 $0x1;
	_ =	shalt  }
.Lfunc_end2:
_tile_overlayer_lowered:
.L_overlay_start_2:
0x42: {  	(tag) =	ssettag $0x2  }
0x43: {  	s0 =	rddreg [dreg:$0x0];
	s2 =	stileid.u32  }
0x44: {  	s1 =	rddreg [dreg:$0x1];
	p0 =	sne.s32 s2, $0x0  }
0x45: {  	s3 =	rddreg [dreg:$0x2];
	[bflag:$0x3] =	sbarrier.arrive $0xFFFF;
	s2 =	simm.s32 @!p0 $0x1C02  }
0x46: {  	[timem:s3], [sflag:s2] =	dma.local @!p0 [hbm:s0], s1  }
0x47: {  	s0 =	simm.s32 @!p0 $0x2  }
0x48: {  	_ =	swait.ge @!p0 [sflag:s0], s1  }
0x49: {  	s1 =	ssub.s32 @!p0 $0x0, s1;
	[sflag:s0] =	ssyncset.done @!p0 $0x0  }
0x4a: {  	[sflag:s0] =	ssyncadd.s32 @!p0 s1  }
0x4b: {  	[bflag:$0x3] =	sbarrier.arrive $0xFFFF  }
0x4c: {  	_ =	shalt  }

</sc_bundles>
